<compile_context>
chip_gen: v7x
topology: tpu7x:2x2x1
jax: 0.10.2.dev20260603
libtpu: 0.0.44.dev20260713+nightly
codegen_flags: <defaults>
</compile_context>

<pallas_src>
import functools

import jax
import jax.numpy as jnp
from jax.experimental import pallas as pl

B, N, K, NUM_CLASSES = 16, 1024, 20, 42
NPOINTS = [1024, 1024, 1024, 1024, 256, 256, 64, 64]


def _knn_idx(pos, k):
    sq = jnp.sum(pos * pos, axis=-1)
    d = sq[:, :, None] - 2.0 * jnp.einsum("bnd,bmd->bnm", pos, pos) + sq[:, None, :]
    _, idx = jax.lax.top_k(-d, k)
    return idx


def _gather_nb(feat, idx):
    return jax.vmap(lambda f, i: f[i])(feat, idx)


def _lpfa_initial(pos, w):
    idx = _knn_idx(pos, K)
    nb = _gather_nb(pos, idx)
    ctr = jnp.broadcast_to(pos[:, :, None, :], nb.shape)
    feat = jnp.concatenate([ctr, nb, nb - ctr], axis=-1)
    out = jax.nn.relu(jnp.einsum("bnkc,cd->bnkd", feat, w))
    return jnp.max(out, axis=2)


def _cic(pos, feat, npoint, w1, we, w2, ws):
    n = pos.shape[1]
    if npoint < n:
        stride = n // npoint
        pos = pos[:, ::stride][:, :npoint]
        feat = feat[:, ::stride][:, :npoint]
    sc = feat if ws is None else feat @ ws
    x = jax.nn.relu(feat @ w1)
    idx = _knn_idx(pos, K)
    nb = _gather_nb(x, idx)
    edge = nb - x[:, :, None, :]
    e = jax.nn.relu(jnp.einsum("bnkc,cd->bnkd", edge, we))
    agg = jnp.max(e, axis=2) + x
    out = agg @ w2
    return pos, jax.nn.relu(out + sc)


def _head_kernel(x_ref, w_ref, b_ref, o_ref):
    x = x_ref[...]
    logits = x @ w_ref[...] + b_ref[...][None, :]
    m = jnp.max(logits, axis=-1, keepdims=True)
    s = logits - m
    lse = jnp.log(jnp.sum(jnp.exp(s), axis=-1, keepdims=True))
    o_ref[...] = s - lse


def kernel(xyz, params):
    pos = jnp.transpose(xyz[:, :3, :], (0, 2, 1))
    feat = _lpfa_initial(pos, params["lpfa_w"])
    p = pos
    for i in range(8):
        ws = params.get(f"cic{i}_ws")
        p, feat = _cic(p, feat, NPOINTS[i], params[f"cic{i}_w1"],
                       params[f"cic{i}_we"], params[f"cic{i}_w2"], ws)
    x = jax.nn.relu(feat @ params["conv0_w"])
    x_max = jnp.max(x, axis=1)
    x_avg = jnp.mean(x, axis=1)
    x = jnp.concatenate([x_max, x_avg], axis=-1)
    x = jax.nn.relu(x @ params["fc1_w"])
    logits = pl.pallas_call(
        _head_kernel,
        out_shape=jax.ShapeDtypeStruct((B, NUM_CLASSES), jnp.float32),
    )(x, params["fc2_w"], params["fc2_b"])
    return logits, jnp.transpose(feat, (0, 2, 1))

# --- scband reference (transcript-rebuilt; emitter-appended) ---
"""Pipeline reference for scband-get-model-14233521619239 (READ-ONLY COPY).

The authoritative reference and input builder live on the scoring server;
editing this copy changes nothing except your own understanding.
"""

import jax, jax.numpy as jnp
import numpy as np

B, N, K, NUM_CLASSES = 16, 1024, 20, 42
NPOINTS = [1024, 1024, 1024, 1024, 256, 256, 64, 64]
CFG = [(32, 64, 2), (64, 64, 4), (64, 128, 2), (128, 128, 4),
       (128, 256, 2), (256, 256, 4), (256, 512, 2), (512, 512, 4)]

def _init(key, i, shape, scale=0.1):
    return jax.random.normal(jax.random.fold_in(key, i), shape, dtype=jnp.float32) * scale

def setup_inputs(seed: int = 0):
    key = jax.random.key(seed)
    xyz = jax.random.normal(jax.random.fold_in(key, 0), (B, 3, N), dtype=jnp.float32)
    p = {}
    p["lpfa_w"] = _init(key, 1, (9, 32))
    c = 10
    for i, (cin, cout, r) in enumerate(CFG):
        mid = cin // r
        p[f"cic{i}_w1"] = _init(key, c, (cin, mid)); c += 1
        p[f"cic{i}_we"] = _init(key, c, (mid, mid)); c += 1
        p[f"cic{i}_w2"] = _init(key, c, (mid, cout)); c += 1
        if cin != cout:
            p[f"cic{i}_ws"] = _init(key, c, (cin, cout)); c += 1
    p["conv0_w"] = _init(key, c, (512, N)); c += 1
    p["fc1_w"] = _init(key, c, (2 * N, 512)); c += 1
    p["fc2_w"] = _init(key, c, (512, NUM_CLASSES)); c += 1
    p["fc2_b"] = jnp.zeros((NUM_CLASSES,), dtype=jnp.float32)
    return {"xyz": xyz, "params": p}

def knn_idx(pos, k):
    sq = jnp.sum(pos * pos, axis=-1)
    d = sq[:, :, None] - 2.0 * jnp.einsum("bnd,bmd->bnm", pos, pos) + sq[:, None, :]
    _, idx = jax.lax.top_k(-d, k)
    return idx

def gather_nb(feat, idx):
    return jax.vmap(lambda f, i: f[i])(feat, idx)

def lpfa_initial(pos, w):
    idx = knn_idx(pos, K)
    nb = gather_nb(pos, idx)
    ctr = jnp.broadcast_to(pos[:, :, None, :], nb.shape)
    feat = jnp.concatenate([ctr, nb, nb - ctr], axis=-1)
    out = jax.nn.relu(jnp.einsum("bnkc,cd->bnkd", feat, w))
    return jnp.max(out, axis=2)

def cic(pos, feat, npoint, w1, we, w2, ws):
    n = pos.shape[1]
    if npoint < n:
        stride = n // npoint
        pos = pos[:, ::stride][:, :npoint]
        feat = feat[:, ::stride][:, :npoint]
    sc = feat if ws is None else feat @ ws
    x = jax.nn.relu(feat @ w1)
    idx = knn_idx(pos, K)
    nb = gather_nb(x, idx)
    edge = nb - x[:, :, None, :]
    e = jax.nn.relu(jnp.einsum("bnkc,cd->bnkd", edge, we))
    agg = jnp.max(e, axis=2) + x
    out = agg @ w2
    return pos, jax.nn.relu(out + sc)

def forward(xyz, params):
    pos = jnp.transpose(xyz[:, :3, :], (0, 2, 1))
    feat = lpfa_initial(pos, params["lpfa_w"])
    p = pos
    for i in range(8):
        ws = params.get(f"cic{i}_ws")
        p, feat = cic(p, feat, NPOINTS[i], params[f"cic{i}_w1"], params[f"cic{i}_we"], params[f"cic{i}_w2"], ws)
    x = jax.nn.relu(feat @ params["conv0_w"])
    x_max = jnp.max(x, axis=1)
    x_avg = jnp.mean(x, axis=1)
    x = jnp.concatenate([x_max, x_avg], axis=-1)
    x = jax.nn.relu(x @ params["fc1_w"])
    x = x @ params["fc2_w"] + params["fc2_b"]
    logits = jax.nn.log_softmax(x, axis=-1)
    return logits, jnp.transpose(feat, (0, 2, 1))

def reference(xyz, params):
    logits, l4_points = forward(xyz, params)
    return (logits, l4_points)

if __name__ == "__main__":
    import jax
    _d = setup_inputs()
    print(jax.jit(kernel)(*tuple(_d.values())))

</pallas_src>

<mosaic_0001>
module attributes {stable_mosaic.version = 14 : i64} {
  func.func @_head_kernel(%arg0: memref<16x512xf32, #tpu.memory_space<vmem>>, %arg1: memref<512x42xf32, #tpu.memory_space<vmem>>, %arg2: memref<42xf32, #tpu.memory_space<vmem>>, %arg3: memref<16x42xf32, #tpu.memory_space<vmem>>) attributes {dimension_semantics = [], scalar_prefetch = 0 : i64, scratch_operands = 0 : i64, tpu.core_type = #tpu.core_type<tc>} {
    %get3A = arith.constant 0 : index
    %get3A_0 = arith.constant 0 : index
    %get3A_1 = vector.load %arg0[%get3A, %get3A_0] : memref<16x512xf32, #tpu.memory_space<vmem>>, vector<16x512xf32>
    %get3A_2 = arith.constant 0 : index
    %get3A_3 = arith.constant 0 : index
    %get3A_4 = vector.load %arg1[%get3A_2, %get3A_3] : memref<512x42xf32, #tpu.memory_space<vmem>>, vector<512x42xf32>
    %dot_general3A = arith.constant dense<0.000000e+00> : vector<16x42xf32>
    %dot_general3A_5 = tpu.matmul %get3A_1, %get3A_4, %dot_general3A {dimension_numbers = #tpu.dot_dimension_numbers<[1], [0], [0], [1], [0, 0, 1, 1], [], []>, transpose_lhs_hint = false} : vector<16x512xf32>, vector<512x42xf32>, vector<16x42xf32> -> vector<16x42xf32>
    %get3A_6 = arith.constant 0 : index
    %get3A_7 = vector.load %arg2[%get3A_6] : memref<42xf32, #tpu.memory_space<vmem>>, vector<42xf32>
    %broadcast_in_dim3A = vector.shape_cast %get3A_7 : vector<42xf32> to vector<1x42xf32>
    %add3A = vector.broadcast %broadcast_in_dim3A : vector<1x42xf32> to vector<16x42xf32>
    %add3A_8 = arith.addf %dot_general3A_5, %add3A : vector<16x42xf32>
    %reduce_max3A = arith.constant dense<0xFF800000> : vector<16xf32>
    %reduce_max3A_9 = vector.multi_reduction <maximumf>, %add3A_8, %reduce_max3A [1] : vector<16x42xf32> to vector<16xf32>
    %broadcast_in_dim3A_10 = vector.shape_cast %reduce_max3A_9 : vector<16xf32> to vector<16x1xf32>
    %sub3A = vector.broadcast %broadcast_in_dim3A_10 : vector<16x1xf32> to vector<16x42xf32>
    %sub3A_11 = arith.subf %add3A_8, %sub3A : vector<16x42xf32>
    %exp3A = math.exp %sub3A_11 : vector<16x42xf32>
    %reduce_sum3A = arith.constant dense<0.000000e+00> : vector<16xf32>
    %reduce_sum3A_12 = vector.multi_reduction <add>, %exp3A, %reduce_sum3A [1] : vector<16x42xf32> to vector<16xf32>
    %broadcast_in_dim3A_13 = vector.shape_cast %reduce_sum3A_12 : vector<16xf32> to vector<16x1xf32>
    %log3A = math.log %broadcast_in_dim3A_13 : vector<16x1xf32>
    %sub3A_14 = vector.broadcast %log3A : vector<16x1xf32> to vector<16x42xf32>
    %sub3A_15 = arith.subf %sub3A_11, %sub3A_14 : vector<16x42xf32>
    %swap3A = arith.constant 0 : index
    %swap3A_16 = arith.constant 0 : index
    %swap3A_17 = vector.load %arg3[%swap3A, %swap3A_16] : memref<16x42xf32, #tpu.memory_space<vmem>>, vector<16x42xf32>
    tpu.vector_store %arg3[%swap3A, %swap3A_16], %sub3A_15 {strides = array<i32>} : memref<16x42xf32, #tpu.memory_space<vmem>>, vector<16x42xf32>,
    return
  }
}

</mosaic_0001>

<sc_bundles>
// kernel: sparse-core-data-format-call.1.cloned.1.call-start
scs
called_computation.1_lowered:
.L_overlay_start_0:
0x0: {  	s1 =	sld [smem:$0x3FD9]  }
0x1: {  	s2 =	sld [smem:$0x3FFE];
	_ =	sdelay $0x1  }
0x2: {  	s3 =	srdreg.scid  }
0x3: {  	s0 =	sand.u32 $0x1, s3  }
0x4: {  	s17 =	sshll.u32 s0, $0xA;
	s1 =	sadd.s32 s2, s1  }
0x5: {  	s1 =	sadd.s32 s1, s17  }
0x6: {  	[smem:$0x3FA6] =	sst s1  }
0x7: {  	_ = 	snop  }
0x8: {  	(tm) =	ssettm $0x1  }
0x9: {  	s18 =	sld [smem:$0x3FFB];
	_ =	sdelay $0x3  }
0xa: {  	_ =	strace s18  }
0xb: {  	s1 =	sld [smem:$0x3FFC];
	_ =	sdelay $0x3  }
0xc: {  	_ =	strace s1  }
0xd: {  	s1 =	sld [smem:$0x3FFD];
	_ =	sdelay $0x3  }
0xe: {  	_ =	strace s1  }
0xf: {  	_ =	strace $0x8FFFFFFF  }
0x10: {  	s19 =	sld [smem:$0x3FDB];
	_ =	sdelay $0x1  }
0x11: {  	s20 =	simm.s32 $_scs_section_size  }
0x12: {  	s4 =	simm.s32 $_size__tile_overlayer_lowered;
	s5 =	simm.s32 $_tile_overlayer_lowered  }
0x13: {  	s23 =	simm.s32 $0x1BFF;
	s22 =	sshll.u32 s5, $0x1;
	s1 =	sadd.s32 s20, s19  }
0x14: {  	s6 =	simm.s32 $0x0;
	s21 =	sshll.u32 s4, $0x1;
	s4 =	sadd.s32 s22, s1  }
0x15: {  	[timem:s6], [sflag:s23] =	dma.local [hbm:s4], s21  }
0x16: {  	_ =	swait.ge [sflag:s23], s21  }
0x17: {  	s2 =	ssub.s32 $0x0, s21;
	[sflag:s23] =	ssyncset.done $0x0  }
0x18: {  	[sflag:s23] =	ssyncadd.s32 s2;
	_ =	sdelay $0x1  }
0x19: {  	s24 =	simm.s32 $0x1B8B  }
0x1a: {  	_ =	swait.ge [sflag:s24], $0x1  }
0x1b: {  	[sflag:s24] =	ssyncset.done $0x0  }
0x1c: {  	s26 =	simm.s32 $0x1B8E;
	s25 =	sld [smem:$0x3FFE];
	[sflag:s24] =	ssyncadd.s32 $0xFFFFFFFF  }
0x1d: {  	s27 =	simm.s32 $execute0_lowered;
	[smem:$0x3FD2] =	sst s26  }
0x1e: {  	s4 =	sshll.u32 s27, $0x1;
	_ =	strace $0x80000049;
	[dreg:$0x1] =	wrdreg $0xFFFFFFFF  }
0x1f: {  	s28 =	simm.s32 $_size_execute0_lowered;
	s1 =	sadd.s32 s1, s4;
	[dreg:$0x0] =	wrdreg $0x0  }
0x20: {  	s4 =	sshll.u32 s28, $0x1;
	[dreg:$0x2] =	wrdreg s1  }
0x21: {  	[dreg:$0x3] =	wrdreg s4  }
0x22: {  	[dreg:$0x4] =	wrdreg $0xC0  }
0x23: {  	_ =	task [dreg:s6], $0x5FFFF  }
0x24: {  	[dreg:$0x1] =	wrdreg $0xFFFFFFFF  }
0x25: {  	[dreg:$0x0] =	wrdreg $0x60  }
0x26: {  	[dreg:$0x2] =	wrdreg s25  }
0x27: {  	[dreg:$0x3] =	wrdreg $0x9  }
0x28: {  	_ =	task.clear_ibuf [dreg:s6], $0x4FFFF;
	_ =	strace $0x90000049  }
0x29: {  	s29 =	simm.s32 $0x9;
	_ =	strace $0x8000004B  }
0x2a: {  	_ =	swait.ge [sflag:s29], $0x1  }
0x2b: {  	[sflag:s29] =	ssyncadd.s32 $0xFFFFFFFF  }
0x2c: {  	_ =	strace $0x9000004B  }
0x2d: {  	_ =	sfence  }
0x2e: {  	s30 =	sld [smem:$0x0];
	_ =	sdelay $0x2  }
0x2f: {  	s31 =	sshll.u32 s3, $0xD;
	s3 =	sshrl.u32 s3, $0x2  }
0x30: {  	s2 =	sand.u32 $0x4000, s31;
	s1 =	sadd.s32 s3, s30  }
0x31: {  	s0 =	sor.u32 s2, s0;
	s1 =	sshll.u32 s1, $0x11  }
0x32: {  	s0 =	sor.u32 s1, s0  }
0x33: {  	s0 =	sadd.s32 $0x8F2B, s0  }
0x34: {  	[sflag:s0] =	ssyncadd.remote.s32 $0x1  }
0x35: {  	_ =	sfence.sel $0xFFFF  }
0x36: {  	[dreg:$0x0] =	wrdreg $0xFFFFFFFF;
	(pc) =	sbr.abs _section_cstart, $3  }
0x37: {  	[dreg:$0x1] =	wrdreg $0xFFFFFFFF  }
0x38: {  	_ =	task.clear_ibuf [dreg:s6], $0x2FFFF;
	_ =	strace $0x9FFFFFFF  }
0x39: {  	(tm) =	ssettm $0x7FFFFFFF  }
tec
execute0_lowered:
.L_overlay_start_1:
0x0: {  	(tag) =	ssettag $0x1  }
0x1: {  	s0 =	srdreg.scid  }
0x2: {  	s1 =	sshll.u32 s0, $0x4  }
0x3: {  	s4 =	rddreg [dreg:$0x0];
	s0 =	stileid.u32;
	s1 =	sand.u32 $0x10, s1  }
0x4: {  	s7 =	simm.s32 $0x1;
	s8 =	simm.s32 $0x2;
	s1 =	sor.u32 s0, s1  }
0x5: {  	s11 =	simm.s32 $0x0;
	s10 =	simm.s32 $0x0;
	s2 =	sshll.u32 s1, $0x7  }
0x6: {  	s3 =	sadd.s32 $0x402000, s4;
	s4 =	sadd.s32 $0x1A000, s4;
	s6 =	ssub.s32 $0x50000, s2  }
.Ltmp0:
0x7: {  	s1 =	rddreg [dreg:$0x1];
	s5 =	sand.u32 $0xF80, s6;
	(pc) =	sbr.rel .LBB1_1-.Ltmp0, $4  }
0x8: {  	_ =	strace $0x8000004A;
	s9 =	smov.u32 s2;
	p0 =	sne.s32 s5, $0x0  }
0x9: {  	s6 =	sshrl.u32 s6, $0xC;
	s5 =	simm.s32 $0x1;
	s7 =	simm.s32 @!p0 $0x0  }
0xa: {  	[sflag:s5] =	ssyncpa.u1 $0x0;
	p0 =	por $0x0, $0x0;
	s6 =	sadd.s32 s7, s6  }
0xb: {  	[sflag:s8] =	ssyncpa.u1 $0x0;
	s8 =	simm.s32 $0x280000;
	s7 =	sadd.s32 $0x1, s6  }
.LBB1_4:
0xc: {  	s14 =	sshll.u32 s11, $0x3  }
0xd: {  	s30 =	sand.u32 $0x7F, s11;
	s15 =	sand.u32 $0xFFFFFC00, s14  }
0xe: {  	s11 =	sor.u32 s30, s15  }
0xf: {  	s15 =	smulhi.u32 $0xCCCCCCCD, s11  }
0x10: {  	s14 =	smulhi.u32 $0xCCCCCCCD, s14  }
0x11: {  	s15 =	sshrl.u32 s15, $0x12  }
0x12: {  	s14 =	sshrl.u32 s14, $0x12;
	s15 =	smul.u32 $0x50000, s15  }
0x13: {  	s14 =	sand.u32 $0x1F, s14  }
0x14: {  	s14 =	smul.u32 $0xA000, s14;
	s11 =	ssub.s32 s11, s15  }
0x15: {  	s15 =	sand.u32 $0x7, s11  }
0x16: {  	s14 =	sadd.s32 s4, s14;
	s11 =	sshrl.u32 s11, $0x3;
	s15 =	sshll.u32 s15, $0x12  }
0x17: {  	[tilespmem:s13+$0x0 ss:$0x81] =	vst.msk $0xffff, v0;
	s11 =	sadd.s32 s11, s14;
	s31 =	sor.u32 $0x400, s15  }
0x18: {  	[hbm4b:s11+s31] =	stream.strided.scatter [tilespmem:s12], [sflag:$0x2], $0x1000, s8, s31, $0x20;
	[tilespmem:$0x4040] =	vst v63  }
.LBB1_5:
0x19: {  	s13 =	sadd.s32 $0x1000, s9  }
0x1a: {  	p2 =	sgt.s32 s13, $0x4FFFF  }
0x1b: {  	s13 =	smov.u32 @p2 s2;
	p2 =	sne.s32 s10, s7  }
.Ltmp1:
0x1c: {  	p1 =	slt.u32 s10, $0x2;
	(pc) =	sbr.rel @!p2 .LBB1_6-.Ltmp1, $4  }
0x1d: {  	s12 =	simm.s32 @!p1 $0x2  }
0x1e: {  	s14 =	sadd.s32 $0x1, s10;
	_ =	swait.ge @!p1 [sflag:s12], $0x1000  }
0x1f: {  	s11 =	smov.u32 s9;
	p0 =	por !p0, !p0;
	[sflag:s12] =	ssyncset.done @!p1 $0x0  }
0x20: {  	s10 =	smov.u32 s14;
	s9 =	smov.u32 s13;
	[sflag:s12] =	ssyncadd.s32 @!p1 $0xFFFFF000  }
.LBB1_1:
0x21: {  	p1 =	sge.u32 s10, s6  }
0x22: {  	s12 =	sand.u32 @!p1 $0x1FFFFFF, s9  }
0x23: {  	s13 =	smulhi.u32 @!p1 $0xCCCCCD, s12;
	_ =	sdelay $0x1  }
0x24: {  	s13 =	sshrl.u32 @!p1 s13, $0xA  }
0x25: {  	s13 =	smul.u32 @!p1 $0x50000, s13;
	_ =	sdelay $0x1  }
0x26: {  	s31 =	sadd.s32 $0xFFFFFFFF, s10;
	s14 =	sxor.u32 @!p1 $0xFFFFFFFF, s10;
	s12 =	ssub.s32 @!p1 s12, s13  }
0x27: {  	s15 =	simm.s32 @!p1 $0x80;
	s14 =	sshll.u32 @!p1 s14, $0xC;
	s12 =	sshll.u32 @!p1 s12, $0x4  }
0x28: {  	s13 =	sand.u32 @!p1 $0x1000, s14;
	s14 =	simm.s32 @!p1 $0x20;
	s12 =	sadd.s32 @!p1 s3, s12  }
0x29: {  	[tilespmem:s13], [sflag:$0x1] =	stream.strided.gather @!p1 [hbm4b:s12+s14], $0x1000, s15, s14, $0x38;
	[tilespmem:$0x4040] =	vst v63  }
0x2a: {  	p1 =	sge.u32 s31, s6  }
.Ltmp2:
0x2b: {  	_ = 	snop;
	(pc) =	sbr.rel @p1 .LBB1_5-.Ltmp2, $1  }
0x2c: {  	_ =	sdelay $0x3  }
0x2d: {  	s12 =	simm.s32 $0x1  }
0x2e: {  	_ =	swait.ge [sflag:s5], $0x1000;
	s12 =	simm.s32 @!p0 $0x0  }
0x2f: {  	[sflag:s5] =	ssyncset.done $0x0;
	s13 =	sshll.u32 s12, $0xC  }
0x30: {  	[sflag:s5] =	ssyncadd.s32 $0xFFFFF000;
	s16 =	sor.u32 $0x10, s13  }
0x31: {  	s12 =	smul.u32 $0x4080, s12;
	v1 =	vld [tilespmem:s16+$0x0]  }
0x32: {  	s30 =	sand.u32 $0x1, s10;
	v0 =	vld [tilespmem:s16+$0xFFFFFFF0]  }
0x33: {  	s13 =	smul.u32 $0x4080, s30;
	s12 =	sshrl.u32 s12, $0x2  }
0x34: {  	s14 =	sor.u32 $0x2000, s12  }
0x35: {  	s31 =	sshrl.u32 s13, $0x2;
	s13 =	sadd.s32 $0x0, s14  }
0x36: {  	s15 =	simm.s32 $0x4;
	s16 =	sadd.s32 $0x20, s16;
	s12 =	sor.u32 $0x2000, s31;
	[tilespmem:s13+$0x810 ss:$0x81] =	vst.msk $0xffff, v1  }
.LBB1_3:
0x37: {  	v1 =	vld [tilespmem:s16+$0x0];
	p1 =	sne.s32 s15, $0x1FC;
	[tilespmem:s13+$0x0 ss:$0x81] =	vst.msk $0xffff, v0;
	s13 =	smov.u32 s15;
	s15 =	sadd.s32 $0x4, s15  }
.Ltmp3:
0x38: {  	v0 =	vld [tilespmem:s16+$0xFFFFFFF0];
	(pc) =	sbr.rel @p1 .LBB1_3-.Ltmp3, $4  }
0x39: {  	_ = 	snop  }
0x3a: {  	s13 =	sshra.s32 s13, $0x2  }
0x3b: {  	s13 =	sadd.s32 s13, s14  }
0x3c: {  	s16 =	sadd.s32 $0x20, s16;
	[tilespmem:s13+$0x810 ss:$0x81] =	vst.msk $0xffff, v1  }
.Ltmp4:
0x3d: {  	_ = 	snop;
	(pc) =	sbr.rel .LBB1_4-.Ltmp4, $1  }
0x3e: {  	_ =	sdelay $0x3  }
.LBB1_6:
0x3f: {  	_ =	sfence.sel $0x180000  }
0x40: {  	s2 =	simm.s32 $0x1;
	[bflag:$0x0] =	sbarrier.arrive $0xFFFF  }
0x41: {  	s31 =	simm.s32 $0x2;
	[sflag:s2] =	ssyncpa.u1 $0x1  }
0x42: {  	[sflag:s31] =	ssyncpa.u1 $0x1  }
0x43: {  	p0 =	sne.s32 s0, $0x0;
	_ =	strace $0x9000004A  }
0x44: {  	s0 =	sadd.s32 @!p0 $0x100000, s1;
	[bflag:$0x2] =	sbarrier.arrive $0xFFFF  }
0x45: {  	[sflag:s0] =	ssyncadd.tile.s32 @!p0 $0x1;
	_ =	shalt  }
.Lfunc_end1:
_tile_overlayer_lowered:
.L_overlay_start_2:
0x46: {  	(tag) =	ssettag $0x2  }
0x47: {  	s0 =	rddreg [dreg:$0x0];
	s2 =	stileid.u32  }
0x48: {  	s1 =	rddreg [dreg:$0x1];
	p0 =	sne.s32 s2, $0x0  }
0x49: {  	s3 =	rddreg [dreg:$0x2];
	[bflag:$0x3] =	sbarrier.arrive $0xFFFF;
	s2 =	simm.s32 @!p0 $0x1C01  }
0x4a: {  	[timem:s3], [sflag:s2] =	dma.local @!p0 [hbm:s0], s1  }
0x4b: {  	s0 =	simm.s32 @!p0 $0x1  }
0x4c: {  	_ =	swait.ge @!p0 [sflag:s0], s1  }
0x4d: {  	s1 =	ssub.s32 @!p0 $0x0, s1;
	[sflag:s0] =	ssyncset.done @!p0 $0x0  }
0x4e: {  	[sflag:s0] =	ssyncadd.s32 @!p0 s1  }
0x4f: {  	[bflag:$0x3] =	sbarrier.arrive $0xFFFF  }
0x50: {  	_ =	shalt  }

// kernel: sparse-core-data-format-call.2.cloned.1.call-start
scs
called_computation.2_lowered:
.L_overlay_start_0:
0x0: {  	s1 =	sld [smem:$0x3FD9]  }
0x1: {  	s2 =	sld [smem:$0x3FFE];
	_ =	sdelay $0x1  }
0x2: {  	s3 =	srdreg.scid  }
0x3: {  	s0 =	sand.u32 $0x1, s3  }
0x4: {  	s17 =	sshll.u32 s0, $0xA;
	s1 =	sadd.s32 s2, s1  }
0x5: {  	s1 =	sadd.s32 s1, s17  }
0x6: {  	[smem:$0x3FA6] =	sst s1  }
0x7: {  	_ = 	snop  }
0x8: {  	(tm) =	ssettm $0x1  }
0x9: {  	s18 =	sld [smem:$0x3FFB];
	_ =	sdelay $0x3  }
0xa: {  	_ =	strace s18  }
0xb: {  	s1 =	sld [smem:$0x3FFC];
	_ =	sdelay $0x3  }
0xc: {  	_ =	strace s1  }
0xd: {  	s1 =	sld [smem:$0x3FFD];
	_ =	sdelay $0x3  }
0xe: {  	_ =	strace s1  }
0xf: {  	_ =	strace $0x8FFFFFFF  }
0x10: {  	s19 =	sld [smem:$0x3FDB];
	_ =	sdelay $0x1  }
0x11: {  	s20 =	simm.s32 $_scs_section_size  }
0x12: {  	s4 =	simm.s32 $_size__tile_overlayer_lowered;
	s5 =	simm.s32 $_tile_overlayer_lowered  }
0x13: {  	s23 =	simm.s32 $0x1BFF;
	s22 =	sshll.u32 s5, $0x1;
	s1 =	sadd.s32 s20, s19  }
0x14: {  	s6 =	simm.s32 $0x0;
	s21 =	sshll.u32 s4, $0x1;
	s4 =	sadd.s32 s22, s1  }
0x15: {  	[timem:s6], [sflag:s23] =	dma.local [hbm:s4], s21  }
0x16: {  	_ =	swait.ge [sflag:s23], s21  }
0x17: {  	s2 =	ssub.s32 $0x0, s21;
	[sflag:s23] =	ssyncset.done $0x0  }
0x18: {  	[sflag:s23] =	ssyncadd.s32 s2;
	_ =	sdelay $0x1  }
0x19: {  	s24 =	simm.s32 $0x1B8B  }
0x1a: {  	_ =	swait.ge [sflag:s24], $0x1  }
0x1b: {  	[sflag:s24] =	ssyncset.done $0x0  }
0x1c: {  	s26 =	simm.s32 $0x1B8E;
	s25 =	sld [smem:$0x3FFE];
	[sflag:s24] =	ssyncadd.s32 $0xFFFFFFFF  }
0x1d: {  	s27 =	simm.s32 $execute0_lowered;
	[smem:$0x3FD2] =	sst s26  }
0x1e: {  	s4 =	sshll.u32 s27, $0x1;
	_ =	strace $0x80000046;
	[dreg:$0x1] =	wrdreg $0xFFFFFFFF  }
0x1f: {  	s28 =	simm.s32 $_size_execute0_lowered;
	s1 =	sadd.s32 s1, s4;
	[dreg:$0x0] =	wrdreg $0x0  }
0x20: {  	s4 =	sshll.u32 s28, $0x1;
	[dreg:$0x2] =	wrdreg s1  }
0x21: {  	[dreg:$0x3] =	wrdreg s4  }
0x22: {  	[dreg:$0x4] =	wrdreg $0xC0  }
0x23: {  	_ =	task [dreg:s6], $0x5FFFF  }
0x24: {  	[dreg:$0x1] =	wrdreg $0xFFFFFFFF  }
0x25: {  	[dreg:$0x0] =	wrdreg $0x60  }
0x26: {  	[dreg:$0x2] =	wrdreg s25  }
0x27: {  	[dreg:$0x3] =	wrdreg $0x9  }
0x28: {  	_ =	task.clear_ibuf [dreg:s6], $0x4FFFF;
	_ =	strace $0x90000046  }
0x29: {  	s29 =	simm.s32 $0x9;
	_ =	strace $0x80000048  }
0x2a: {  	_ =	swait.ge [sflag:s29], $0x1  }
0x2b: {  	[sflag:s29] =	ssyncadd.s32 $0xFFFFFFFF  }
0x2c: {  	_ =	strace $0x90000048  }
0x2d: {  	_ =	sfence  }
0x2e: {  	s30 =	sld [smem:$0x0];
	_ =	sdelay $0x2  }
0x2f: {  	s31 =	sshll.u32 s3, $0xD;
	s3 =	sshrl.u32 s3, $0x2  }
0x30: {  	s2 =	sand.u32 $0x4000, s31;
	s1 =	sadd.s32 s3, s30  }
0x31: {  	s0 =	sor.u32 s2, s0;
	s1 =	sshll.u32 s1, $0x11  }
0x32: {  	s0 =	sor.u32 s1, s0  }
0x33: {  	s0 =	sadd.s32 $0x8F2B, s0  }
0x34: {  	[sflag:s0] =	ssyncadd.remote.s32 $0x1  }
0x35: {  	_ =	sfence.sel $0xFFFF  }
0x36: {  	[dreg:$0x0] =	wrdreg $0xFFFFFFFF;
	(pc) =	sbr.abs _section_cstart, $3  }
0x37: {  	[dreg:$0x1] =	wrdreg $0xFFFFFFFF  }
0x38: {  	_ =	task.clear_ibuf [dreg:s6], $0x2FFFF;
	_ =	strace $0x9FFFFFFF  }
0x39: {  	(tm) =	ssettm $0x7FFFFFFF  }
tec
execute0_lowered:
.L_overlay_start_1:
0x0: {  	(tag) =	ssettag $0x1  }
0x1: {  	s0 =	srdreg.scid;
	s1 =	rddreg [dreg:$0x0]  }
0x2: {  	s5 =	simm.s32 $0x1;
	s7 =	simm.s32 $0x2;
	s15 =	simm.s32 $0x0  }
0x3: {  	p0 =	por $0x0, $0x0;
	s8 =	simm.s32 $0x2000;
	s0 =	sshll.u32 s0, $0x7  }
0x4: {  	s13 =	simm.s32 $0x0;
	s14 =	simm.s32 $0x0;
	s2 =	sand.u32 $0x80, s0  }
0x5: {  	s9 =	simm.s32 $0x0;
	s11 =	stileid.u32;
	s3 =	ssub.s32 $0x400, s2  }
.Ltmp0:
0x6: {  	s12 =	simm.s32 $0x0;
	s6 =	sshrl.u32 s3, $0x7;
	(pc) =	sbr.rel .LBB1_1-.Ltmp0, $4  }
0x7: {  	s4 =	sadd.s32 $0x200000, s1;
	s3 =	sshrl.u32 s3, $0x8;
	s6 =	sand.u32 $0x1, s6  }
0x8: {  	s0 =	rddreg [dreg:$0x1];
	_ =	strace $0x80000047;
	s6 =	sadd.s32 s3, s6  }
0x9: {  	[sflag:s5] =	ssyncpa.u1 $0x0;
	s10 =	smov.u32 s2;
	s6 =	sshll.u32 s6, $0x3  }
0xa: {  	[sflag:s7] =	ssyncpa.u1 $0x0;
	s3 =	stileid.u32;
	s7 =	sor.u32 $0x1, s6  }
.LBB1_4:
0xb: {  	v5 =	vld [tilespmem:s19+$0xFFFFFFD0];
	[tilespmem:s18+$0x2040 ss:$0x81] =	vst.msk $0xffff, v1  }
0xc: {  	v58 =	vld [tilespmem:s19+$0xFFFFFFE0];
	[tilespmem:s18+$0x2850 ss:$0x81] =	vst.msk $0xffff, v2  }
0xd: {  	s20 =	sshra.s32 s20, $0x2;
	v59 =	vld [tilespmem:s19+$0xFFFFFFF0];
	[tilespmem:s18+$0x3060 ss:$0x81] =	vst.msk $0xffff, v3  }
0xe: {  	v60 =	vld [tilespmem:s19+$0x0];
	[tilespmem:s18+$0x0 ss:$0x81] =	vst.msk $0xffff, v0;
	s17 =	sadd.s32 s20, s17  }
0xf: {  	v61 =	vld [tilespmem:s19+$0x10];
	[tilespmem:s17+$0x3870 ss:$0x81] =	vst.msk $0xffff, v4  }
0x10: {  	v62 =	vld [tilespmem:s19+$0x20];
	s26 =	sshll.u32 s15, $0xA;
	s27 =	sshll.u32 s13, $0x3;
	[tilespmem:s17+$0x810 ss:$0x81] =	vst.msk $0xffff, v5  }
0x11: {  	v63 =	vld [tilespmem:s19+$0xFFFFFFC0];
	s29 =	sshll.u32 s15, $0x7;
	s30 =	sand.u32 $0x78, s13;
	s14 =	sshll.u32 s14, $0x11;
	[tilespmem:s17+$0x1020 ss:$0x81] =	vst.msk $0xffff, v58  }
0x12: {  	s18 =	sand.u32 $0xFE000, s26;
	s28 =	sand.u32 $0xFFC00, s27;
	s15 =	sand.u32 $0x380, s29;
	[tilespmem:s17+$0x1830 ss:$0x81] =	vst.msk $0xffff, v59  }
0x13: {  	s31 =	sand.u32 $0x7, s13;
	s18 =	sadd.s32 s28, s18;
	s15 =	sor.u32 s30, s15;
	[tilespmem:s17+$0x2040 ss:$0x81] =	vst.msk $0xffff, v60  }
0x14: {  	s14 =	sadd.s32 s4, s14;
	s18 =	sshrl.u32 s18, $0x3;
	s15 =	sshrl.u32 s15, $0x3;
	[tilespmem:s17+$0x2850 ss:$0x81] =	vst.msk $0xffff, v61  }
0x15: {  	s13 =	sshll.u32 s31, $0x12;
	s18 =	sand.u32 $0x1FF80, s18;
	s14 =	sadd.s32 s15, s14;
	[tilespmem:s17+$0x3060 ss:$0x81] =	vst.msk $0xffff, v62  }
0x16: {  	s13 =	sor.u32 $0x400, s13;
	[tilespmem:s17+$0x0 ss:$0x81] =	vst.msk $0xffff, v63;
	s14 =	sadd.s32 s18, s14  }
0x17: {  	[hbm4b:s14+s13] =	stream.strided.scatter [tilespmem:s16], [sflag:$0x2], $0x4000, s8, s13, $0x20;
	[tilespmem:$0x10100] =	vst v63  }
.LBB1_5:
0x18: {  	s16 =	sadd.s32 $0x80, s9  }
0x19: {  	s13 =	sadd.s32 $0x100, s10;
	s17 =	smov.u32 s10;
	p2 =	sgt.s32 s16, $0x3FF  }
0x1a: {  	s17 =	smov.u32 @p2 s13  }
0x1b: {  	s19 =	smov.u32 s11;
	s13 =	sadd.s32 $0x10, s11;
	p3 =	sgt.s32 s17, $0x3FF  }
0x1c: {  	s19 =	smov.u32 @p3 s13  }
0x1d: {  	s16 =	simm.s32 @p2 $0x0;
	p2 =	sgt.s32 s19, $0xF  }
0x1e: {  	p1 =	slt.u32 s12, $0x2;
	s19 =	smov.u32 @p2 s3;
	p2 =	sne.s32 s12, s7  }
.Ltmp1:
0x1f: {  	s18 =	simm.s32 @!p1 $0x2;
	(pc) =	sbr.rel @!p2 .LBB1_6-.Ltmp1, $4  }
0x20: {  	s15 =	smov.u32 s9;
	s14 =	smov.u32 s11;
	_ =	swait.ge @!p1 [sflag:s18], $0x4000  }
0x21: {  	p0 =	por !p0, !p0;
	[sflag:s18] =	ssyncset.done @!p1 $0x0;
	s9 =	smov.u32 s16  }
0x22: {  	s17 =	smov.u32 @p3 s2;
	s13 =	smov.u32 s10;
	[sflag:s18] =	ssyncadd.s32 @!p1 $0xFFFFC000  }
0x23: {  	s10 =	smov.u32 s17;
	s12 =	sadd.s32 $0x1, s12;
	s11 =	smov.u32 s19  }
.LBB1_1:
0x24: {  	p1 =	sge.u32 s12, s6  }
0x25: {  	s31 =	sadd.s32 $0xFFFFFFFF, s12;
	s16 =	sshll.u32 @!p1 s10, $0x7  }
0x26: {  	s17 =	sxor.u32 @!p1 $0xFFFFFFFF, s12;
	s18 =	sand.u32 @!p1 $0x78, s9;
	s19 =	sand.u32 @!p1 $0x380, s16  }
0x27: {  	s17 =	sshll.u32 @!p1 s17, $0xE;
	s18 =	sor.u32 @!p1 s18, s19;
	s19 =	sshll.u32 @!p1 s11, $0x11  }
0x28: {  	s16 =	sand.u32 @!p1 $0x1FC00, s16;
	s18 =	sshrl.u32 @!p1 s18, $0x3;
	s19 =	sadd.s32 @!p1 s1, s19  }
0x29: {  	s16 =	sadd.s32 @!p1 s9, s16;
	s18 =	sadd.s32 @!p1 s18, s19;
	s19 =	sand.u32 @!p1 $0x7, s9  }
0x2a: {  	s17 =	sand.u32 @!p1 $0x4000, s17;
	s16 =	sand.u32 @!p1 $0x1FF80, s16;
	s19 =	sshll.u32 @!p1 s19, $0x12  }
0x2b: {  	s16 =	sadd.s32 @!p1 s16, s18;
	s18 =	sor.u32 @!p1 $0x400, s19;
	s19 =	simm.s32 @!p1 $0x2000  }
0x2c: {  	[tilespmem:s17], [sflag:$0x1] =	stream.strided.gather @!p1 [hbm4b:s16+s18], $0x4000, s19, s18, $0x38;
	[tilespmem:$0x10100] =	vst v63  }
0x2d: {  	p1 =	sge.u32 s31, s6  }
.Ltmp2:
0x2e: {  	_ = 	snop;
	(pc) =	sbr.rel @p1 .LBB1_5-.Ltmp2, $1  }
0x2f: {  	_ =	sdelay $0x3  }
0x30: {  	s16 =	simm.s32 $0x1  }
0x31: {  	_ =	swait.ge [sflag:s5], $0x4000;
	s16 =	simm.s32 @!p0 $0x0  }
0x32: {  	[sflag:s5] =	ssyncset.done $0x0;
	s17 =	sshll.u32 s16, $0xE  }
0x33: {  	[sflag:s5] =	ssyncadd.s32 $0xFFFFC000;
	s19 =	sor.u32 $0x40, s17  }
0x34: {  	s16 =	smul.u32 $0x10200, s16;
	v0 =	vld [tilespmem:s19+$0x30]  }
0x35: {  	v3 =	vld [tilespmem:s19+$0xFFFFFFD0]  }
0x36: {  	s16 =	sshrl.u32 s16, $0x2;
	v4 =	vld [tilespmem:s19+$0xFFFFFFE0]  }
0x37: {  	v5 =	vld [tilespmem:s19+$0xFFFFFFF0];
	s17 =	sor.u32 $0x8000, s16  }
0x38: {  	s31 =	sand.u32 $0x1, s12;
	v1 =	vld [tilespmem:s19+$0x0];
	s18 =	sadd.s32 $0x0, s17  }
0x39: {  	v2 =	vld [tilespmem:s19+$0x10];
	s16 =	smul.u32 $0x10200, s31;
	[tilespmem:s18+$0x3870 ss:$0x81] =	vst.msk $0xffff, v0  }
0x3a: {  	[tilespmem:s18+$0x810 ss:$0x81] =	vst.msk $0xffff, v3;
	v3 =	vld [tilespmem:s19+$0x20]  }
0x3b: {  	s16 =	sshrl.u32 s16, $0x2;
	v0 =	vld [tilespmem:s19+$0xFFFFFFC0];
	[tilespmem:s18+$0x1020 ss:$0x81] =	vst.msk $0xffff, v4;
	s19 =	sadd.s32 $0x80, s19  }
0x3c: {  	s20 =	simm.s32 $0x4;
	s21 =	simm.s32 $0x8;
	s16 =	sor.u32 $0x8000, s16;
	[tilespmem:s18+$0x1830 ss:$0x81] =	vst.msk $0xffff, v5;
	v4 =	vld [tilespmem:s19+$0x30]  }
.LBB1_3:
0x3d: {  	p1 =	sne.s32 s21, $0x1FC;
	v5 =	vld [tilespmem:s19+$0xFFFFFFD0];
	[tilespmem:s18+$0x2040 ss:$0x81] =	vst.msk $0xffff, v1  }
0x3e: {  	v6 =	vld [tilespmem:s19+$0xFFFFFFE0];
	[tilespmem:s18+$0x2850 ss:$0x81] =	vst.msk $0xffff, v2  }
0x3f: {  	s22 =	sshra.s32 s20, $0x2;
	s20 =	smov.u32 s21;
	v7 =	vld [tilespmem:s19+$0xFFFFFFF0];
	[tilespmem:s18+$0x3060 ss:$0x81] =	vst.msk $0xffff, v3  }
.Ltmp3:
0x40: {  	v1 =	vld [tilespmem:s19+$0x0];
	[tilespmem:s18+$0x0 ss:$0x81] =	vst.msk $0xffff, v0;
	s18 =	sadd.s32 s22, s17;
	(pc) =	sbr.rel @p1 .LBB1_3-.Ltmp3, $4  }
0x41: {  	v2 =	vld [tilespmem:s19+$0x10];
	[tilespmem:s18+$0x3870 ss:$0x81] =	vst.msk $0xffff, v4  }
0x42: {  	[tilespmem:s18+$0x810 ss:$0x81] =	vst.msk $0xffff, v5;
	v3 =	vld [tilespmem:s19+$0x20]  }
0x43: {  	v0 =	vld [tilespmem:s19+$0xFFFFFFC0];
	[tilespmem:s18+$0x1020 ss:$0x81] =	vst.msk $0xffff, v6;
	s19 =	sadd.s32 $0x80, s19  }
0x44: {  	s21 =	sadd.s32 $0x4, s21;
	v4 =	vld [tilespmem:s19+$0x30];
	[tilespmem:s18+$0x1830 ss:$0x81] =	vst.msk $0xffff, v7  }
.Ltmp4:
0x45: {  	_ = 	snop;
	(pc) =	sbr.rel .LBB1_4-.Ltmp4, $1  }
0x46: {  	_ =	sdelay $0x3  }
.LBB1_6:
0x47: {  	_ =	sfence.sel $0x180000  }
0x48: {  	s1 =	simm.s32 $0x1;
	[bflag:$0x0] =	sbarrier.arrive $0xFFFF  }
0x49: {  	s31 =	simm.s32 $0x2;
	[sflag:s1] =	ssyncpa.u1 $0x1  }
0x4a: {  	[sflag:s31] =	ssyncpa.u1 $0x1  }
0x4b: {  	p0 =	sne.s32 s3, $0x0;
	_ =	strace $0x90000047  }
0x4c: {  	s0 =	sadd.s32 @!p0 $0x100000, s0;
	[bflag:$0x2] =	sbarrier.arrive $0xFFFF  }
0x4d: {  	[sflag:s0] =	ssyncadd.tile.s32 @!p0 $0x1;
	_ =	shalt  }
.Lfunc_end1:
_tile_overlayer_lowered:
.L_overlay_start_2:
0x4e: {  	(tag) =	ssettag $0x2  }
0x4f: {  	s0 =	rddreg [dreg:$0x0];
	s2 =	stileid.u32  }
0x50: {  	s1 =	rddreg [dreg:$0x1];
	p0 =	sne.s32 s2, $0x0  }
0x51: {  	s3 =	rddreg [dreg:$0x2];
	[bflag:$0x3] =	sbarrier.arrive $0xFFFF;
	s2 =	simm.s32 @!p0 $0x1C01  }
0x52: {  	[timem:s3], [sflag:s2] =	dma.local @!p0 [hbm:s0], s1  }
0x53: {  	s0 =	simm.s32 @!p0 $0x1  }
0x54: {  	_ =	swait.ge @!p0 [sflag:s0], s1  }
0x55: {  	s1 =	ssub.s32 @!p0 $0x0, s1;
	[sflag:s0] =	ssyncset.done @!p0 $0x0  }
0x56: {  	[sflag:s0] =	ssyncadd.s32 @!p0 s1  }
0x57: {  	[bflag:$0x3] =	sbarrier.arrive $0xFFFF  }
0x58: {  	_ =	shalt  }

// kernel: sparse-core-data-format-call.cloned.1.call-start
scs
called_computation_lowered:
.L_overlay_start_0:
0x0: {  	s1 =	sld [smem:$0x3FD9]  }
0x1: {  	s2 =	sld [smem:$0x3FFE];
	_ =	sdelay $0x1  }
0x2: {  	s3 =	srdreg.scid  }
0x3: {  	s0 =	sand.u32 $0x1, s3  }
0x4: {  	s17 =	sshll.u32 s0, $0xA;
	s1 =	sadd.s32 s2, s1  }
0x5: {  	s1 =	sadd.s32 s1, s17  }
0x6: {  	[smem:$0x3FA6] =	sst s1  }
0x7: {  	_ = 	snop  }
0x8: {  	(tm) =	ssettm $0x1  }
0x9: {  	s18 =	sld [smem:$0x3FFB];
	_ =	sdelay $0x3  }
0xa: {  	_ =	strace s18  }
0xb: {  	s1 =	sld [smem:$0x3FFC];
	_ =	sdelay $0x3  }
0xc: {  	_ =	strace s1  }
0xd: {  	s1 =	sld [smem:$0x3FFD];
	_ =	sdelay $0x3  }
0xe: {  	_ =	strace s1  }
0xf: {  	_ =	strace $0x8FFFFFFF  }
0x10: {  	s19 =	sld [smem:$0x3FDB];
	_ =	sdelay $0x1  }
0x11: {  	s20 =	simm.s32 $_scs_section_size  }
0x12: {  	s4 =	simm.s32 $_size__tile_overlayer_lowered;
	s5 =	simm.s32 $_tile_overlayer_lowered  }
0x13: {  	s23 =	simm.s32 $0x1BFF;
	s22 =	sshll.u32 s5, $0x1;
	s1 =	sadd.s32 s20, s19  }
0x14: {  	s6 =	simm.s32 $0x0;
	s21 =	sshll.u32 s4, $0x1;
	s4 =	sadd.s32 s22, s1  }
0x15: {  	[timem:s6], [sflag:s23] =	dma.local [hbm:s4], s21  }
0x16: {  	_ =	swait.ge [sflag:s23], s21  }
0x17: {  	s2 =	ssub.s32 $0x0, s21;
	[sflag:s23] =	ssyncset.done $0x0  }
0x18: {  	[sflag:s23] =	ssyncadd.s32 s2;
	_ =	sdelay $0x1  }
0x19: {  	s24 =	simm.s32 $0x1B8B  }
0x1a: {  	_ =	swait.ge [sflag:s24], $0x1  }
0x1b: {  	[sflag:s24] =	ssyncset.done $0x0  }
0x1c: {  	s26 =	simm.s32 $0x1B8E;
	s25 =	sld [smem:$0x3FFE];
	[sflag:s24] =	ssyncadd.s32 $0xFFFFFFFF  }
0x1d: {  	s27 =	simm.s32 $execute0_lowered;
	[smem:$0x3FD2] =	sst s26  }
0x1e: {  	s4 =	sshll.u32 s27, $0x1;
	_ =	strace $0x8000004C;
	[dreg:$0x1] =	wrdreg $0xFFFFFFFF  }
0x1f: {  	s28 =	simm.s32 $_size_execute0_lowered;
	s1 =	sadd.s32 s1, s4;
	[dreg:$0x0] =	wrdreg $0x0  }
0x20: {  	s4 =	sshll.u32 s28, $0x1;
	[dreg:$0x2] =	wrdreg s1  }
0x21: {  	[dreg:$0x3] =	wrdreg s4  }
0x22: {  	[dreg:$0x4] =	wrdreg $0xC0  }
0x23: {  	_ =	task [dreg:s6], $0x5FFFF  }
0x24: {  	[dreg:$0x1] =	wrdreg $0xFFFFFFFF  }
0x25: {  	[dreg:$0x0] =	wrdreg $0x60  }
0x26: {  	[dreg:$0x2] =	wrdreg s25  }
0x27: {  	[dreg:$0x3] =	wrdreg $0x9  }
0x28: {  	_ =	task.clear_ibuf [dreg:s6], $0x4FFFF;
	_ =	strace $0x9000004C  }
0x29: {  	s29 =	simm.s32 $0x9;
	_ =	strace $0x8000004E  }
0x2a: {  	_ =	swait.ge [sflag:s29], $0x1  }
0x2b: {  	[sflag:s29] =	ssyncadd.s32 $0xFFFFFFFF  }
0x2c: {  	_ =	strace $0x9000004E  }
0x2d: {  	_ =	sfence  }
0x2e: {  	s30 =	sld [smem:$0x0];
	_ =	sdelay $0x2  }
0x2f: {  	s31 =	sshll.u32 s3, $0xD;
	s3 =	sshrl.u32 s3, $0x2  }
0x30: {  	s2 =	sand.u32 $0x4000, s31;
	s1 =	sadd.s32 s3, s30  }
0x31: {  	s0 =	sor.u32 s2, s0;
	s1 =	sshll.u32 s1, $0x11  }
0x32: {  	s0 =	sor.u32 s1, s0  }
0x33: {  	s0 =	sadd.s32 $0x8F2B, s0  }
0x34: {  	[sflag:s0] =	ssyncadd.remote.s32 $0x1  }
0x35: {  	_ =	sfence.sel $0xFFFF  }
0x36: {  	[dreg:$0x0] =	wrdreg $0xFFFFFFFF;
	(pc) =	sbr.abs _section_cstart, $3  }
0x37: {  	[dreg:$0x1] =	wrdreg $0xFFFFFFFF  }
0x38: {  	_ =	task.clear_ibuf [dreg:s6], $0x2FFFF;
	_ =	strace $0x9FFFFFFF  }
0x39: {  	(tm) =	ssettm $0x7FFFFFFF  }
tec
execute0_lowered:
.L_overlay_start_1:
0x0: {  	(tag) =	ssettag $0x1  }
0x1: {  	s0 =	srdreg.scid  }
0x2: {  	s1 =	sshll.u32 s0, $0x4  }
0x3: {  	s4 =	rddreg [dreg:$0x0];
	s0 =	stileid.u32;
	s1 =	sand.u32 $0x10, s1  }
0x4: {  	s7 =	simm.s32 $0x1;
	s8 =	simm.s32 $0x2;
	s1 =	sor.u32 s0, s1  }
0x5: {  	s11 =	simm.s32 $0x0;
	s10 =	simm.s32 $0x0;
	s2 =	sshll.u32 s1, $0x7  }
0x6: {  	s3 =	sadd.s32 $0x402000, s4;
	s4 =	sadd.s32 $0x4A000, s4;
	s6 =	ssub.s32 $0x50000, s2  }
.Ltmp0:
0x7: {  	s1 =	rddreg [dreg:$0x1];
	s5 =	sand.u32 $0xF80, s6;
	(pc) =	sbr.rel .LBB1_1-.Ltmp0, $4  }
0x8: {  	_ =	strace $0x8000004D;
	s9 =	smov.u32 s2;
	p0 =	sne.s32 s5, $0x0  }
0x9: {  	s6 =	sshrl.u32 s6, $0xC;
	s5 =	simm.s32 $0x1;
	s7 =	simm.s32 @!p0 $0x0  }
0xa: {  	[sflag:s5] =	ssyncpa.u1 $0x0;
	p0 =	por $0x0, $0x0;
	s6 =	sadd.s32 s7, s6  }
0xb: {  	[sflag:s8] =	ssyncpa.u1 $0x0;
	s8 =	simm.s32 $0x280000;
	s7 =	sadd.s32 $0x1, s6  }
.LBB1_4:
0xc: {  	s14 =	sshll.u32 s11, $0x3  }
0xd: {  	s30 =	sand.u32 $0x7F, s11;
	s15 =	sand.u32 $0xFFFFFC00, s14  }
0xe: {  	s11 =	sor.u32 s30, s15  }
0xf: {  	s15 =	smulhi.u32 $0xCCCCCCCD, s11  }
0x10: {  	s14 =	smulhi.u32 $0xCCCCCCCD, s14  }
0x11: {  	s15 =	sshrl.u32 s15, $0x12  }
0x12: {  	s14 =	sshrl.u32 s14, $0x12;
	s15 =	smul.u32 $0x50000, s15  }
0x13: {  	s14 =	sand.u32 $0x1F, s14  }
0x14: {  	s14 =	smul.u32 $0xA000, s14;
	s11 =	ssub.s32 s11, s15  }
0x15: {  	s15 =	sand.u32 $0x7, s11  }
0x16: {  	s14 =	sadd.s32 s4, s14;
	s11 =	sshrl.u32 s11, $0x3;
	s15 =	sshll.u32 s15, $0x12  }
0x17: {  	[tilespmem:s13+$0x0 ss:$0x81] =	vst.msk $0xffff, v0;
	s11 =	sadd.s32 s11, s14;
	s31 =	sor.u32 $0x400, s15  }
0x18: {  	[hbm4b:s11+s31] =	stream.strided.scatter [tilespmem:s12], [sflag:$0x2], $0x1000, s8, s31, $0x20;
	[tilespmem:$0x4040] =	vst v63  }
.LBB1_5:
0x19: {  	s13 =	sadd.s32 $0x1000, s9  }
0x1a: {  	p2 =	sgt.s32 s13, $0x4FFFF  }
0x1b: {  	s13 =	smov.u32 @p2 s2;
	p2 =	sne.s32 s10, s7  }
.Ltmp1:
0x1c: {  	p1 =	slt.u32 s10, $0x2;
	(pc) =	sbr.rel @!p2 .LBB1_6-.Ltmp1, $4  }
0x1d: {  	s12 =	simm.s32 @!p1 $0x2  }
0x1e: {  	s14 =	sadd.s32 $0x1, s10;
	_ =	swait.ge @!p1 [sflag:s12], $0x1000  }
0x1f: {  	s11 =	smov.u32 s9;
	p0 =	por !p0, !p0;
	[sflag:s12] =	ssyncset.done @!p1 $0x0  }
0x20: {  	s10 =	smov.u32 s14;
	s9 =	smov.u32 s13;
	[sflag:s12] =	ssyncadd.s32 @!p1 $0xFFFFF000  }
.LBB1_1:
0x21: {  	p1 =	sge.u32 s10, s6  }
0x22: {  	s12 =	sand.u32 @!p1 $0x1FFFFFF, s9  }
0x23: {  	s13 =	smulhi.u32 @!p1 $0xCCCCCD, s12;
	_ =	sdelay $0x1  }
0x24: {  	s13 =	sshrl.u32 @!p1 s13, $0xA  }
0x25: {  	s13 =	smul.u32 @!p1 $0x50000, s13;
	_ =	sdelay $0x1  }
0x26: {  	s31 =	sadd.s32 $0xFFFFFFFF, s10;
	s14 =	sxor.u32 @!p1 $0xFFFFFFFF, s10;
	s12 =	ssub.s32 @!p1 s12, s13  }
0x27: {  	s15 =	simm.s32 @!p1 $0x80;
	s14 =	sshll.u32 @!p1 s14, $0xC;
	s12 =	sshll.u32 @!p1 s12, $0x4  }
0x28: {  	s13 =	sand.u32 @!p1 $0x1000, s14;
	s14 =	simm.s32 @!p1 $0x20;
	s12 =	sadd.s32 @!p1 s3, s12  }
0x29: {  	[tilespmem:s13], [sflag:$0x1] =	stream.strided.gather @!p1 [hbm4b:s12+s14], $0x1000, s15, s14, $0x38;
	[tilespmem:$0x4040] =	vst v63  }
0x2a: {  	p1 =	sge.u32 s31, s6  }
.Ltmp2:
0x2b: {  	_ = 	snop;
	(pc) =	sbr.rel @p1 .LBB1_5-.Ltmp2, $1  }
0x2c: {  	_ =	sdelay $0x3  }
0x2d: {  	s12 =	simm.s32 $0x1  }
0x2e: {  	_ =	swait.ge [sflag:s5], $0x1000;
	s12 =	simm.s32 @!p0 $0x0  }
0x2f: {  	[sflag:s5] =	ssyncset.done $0x0;
	s13 =	sshll.u32 s12, $0xC  }
0x30: {  	[sflag:s5] =	ssyncadd.s32 $0xFFFFF000;
	s16 =	sor.u32 $0x10, s13  }
0x31: {  	s12 =	smul.u32 $0x4080, s12;
	v1 =	vld [tilespmem:s16+$0x0]  }
0x32: {  	s30 =	sand.u32 $0x1, s10;
	v0 =	vld [tilespmem:s16+$0xFFFFFFF0]  }
0x33: {  	s13 =	smul.u32 $0x4080, s30;
	s12 =	sshrl.u32 s12, $0x2  }
0x34: {  	s14 =	sor.u32 $0x2000, s12  }
0x35: {  	s31 =	sshrl.u32 s13, $0x2;
	s13 =	sadd.s32 $0x0, s14  }
0x36: {  	s15 =	simm.s32 $0x4;
	s16 =	sadd.s32 $0x20, s16;
	s12 =	sor.u32 $0x2000, s31;
	[tilespmem:s13+$0x810 ss:$0x81] =	vst.msk $0xffff, v1  }
.LBB1_3:
0x37: {  	v1 =	vld [tilespmem:s16+$0x0];
	p1 =	sne.s32 s15, $0x1FC;
	[tilespmem:s13+$0x0 ss:$0x81] =	vst.msk $0xffff, v0;
	s13 =	smov.u32 s15;
	s15 =	sadd.s32 $0x4, s15  }
.Ltmp3:
0x38: {  	v0 =	vld [tilespmem:s16+$0xFFFFFFF0];
	(pc) =	sbr.rel @p1 .LBB1_3-.Ltmp3, $4  }
0x39: {  	_ = 	snop  }
0x3a: {  	s13 =	sshra.s32 s13, $0x2  }
0x3b: {  	s13 =	sadd.s32 s13, s14  }
0x3c: {  	s16 =	sadd.s32 $0x20, s16;
	[tilespmem:s13+$0x810 ss:$0x81] =	vst.msk $0xffff, v1  }
.Ltmp4:
0x3d: {  	_ = 	snop;
	(pc) =	sbr.rel .LBB1_4-.Ltmp4, $1  }
0x3e: {  	_ =	sdelay $0x3  }
.LBB1_6:
0x3f: {  	_ =	sfence.sel $0x180000  }
0x40: {  	s2 =	simm.s32 $0x1;
	[bflag:$0x0] =	sbarrier.arrive $0xFFFF  }
0x41: {  	s31 =	simm.s32 $0x2;
	[sflag:s2] =	ssyncpa.u1 $0x1  }
0x42: {  	[sflag:s31] =	ssyncpa.u1 $0x1  }
0x43: {  	p0 =	sne.s32 s0, $0x0;
	_ =	strace $0x9000004D  }
0x44: {  	s0 =	sadd.s32 @!p0 $0x100000, s1;
	[bflag:$0x2] =	sbarrier.arrive $0xFFFF  }
0x45: {  	[sflag:s0] =	ssyncadd.tile.s32 @!p0 $0x1;
	_ =	shalt  }
.Lfunc_end1:
_tile_overlayer_lowered:
.L_overlay_start_2:
0x46: {  	(tag) =	ssettag $0x2  }
0x47: {  	s0 =	rddreg [dreg:$0x0];
	s2 =	stileid.u32  }
0x48: {  	s1 =	rddreg [dreg:$0x1];
	p0 =	sne.s32 s2, $0x0  }
0x49: {  	s3 =	rddreg [dreg:$0x2];
	[bflag:$0x3] =	sbarrier.arrive $0xFFFF;
	s2 =	simm.s32 @!p0 $0x1C01  }
0x4a: {  	[timem:s3], [sflag:s2] =	dma.local @!p0 [hbm:s0], s1  }
0x4b: {  	s0 =	simm.s32 @!p0 $0x1  }
0x4c: {  	_ =	swait.ge @!p0 [sflag:s0], s1  }
0x4d: {  	s1 =	ssub.s32 @!p0 $0x0, s1;
	[sflag:s0] =	ssyncset.done @!p0 $0x0  }
0x4e: {  	[sflag:s0] =	ssyncadd.s32 @!p0 s1  }
0x4f: {  	[bflag:$0x3] =	sbarrier.arrive $0xFFFF  }
0x50: {  	_ =	shalt  }

</sc_bundles>
